<compile_context>
chip_gen: v7x
topology: tpu7x:2x2x1
jax: 0.10.2.dev20260603
libtpu: 0.0.44.dev20260713+nightly
codegen_flags: <defaults>
</compile_context>

<pallas_src>
import jax
import jax.numpy as jnp
from jax import lax
from jax.experimental import pallas as pl
from jax.experimental.pallas import tpu as pltpu
from jax.experimental.pallas import tpu_sc as plsc

_N = 100000
_NC = 2
_NS = 16
_L = 16
_NW = _NC * _NS
_STEPS = 196
_P = _STEPS * _L


_C0 = 5.62932995e-07
_C1 = 0.999957466
_C2 = -0.499206382
_C3 = 0.326972352
_C4 = -0.222834717
_C5 = 0.130763359
_C6 = -0.0526239552
_C7 = 0.0101189017

_W = 3328
_WMAX = ((_N + 127) // 128) * 128 - _W


def _sc_partials(pt_hbm, tgt_hbm, out_hbm, pv, tgt_v, acc_v, sem_a, sem_b):
    wid = lax.axis_index("s") * _NC + lax.axis_index("c")
    own = wid * _P
    start = jnp.minimum(own - lax.rem(own, 128), _WMAX)
    start = pl.multiple_of(start, 128)
    delta = own - start
    ca = pltpu.async_copy(pt_hbm.at[:, pl.ds(start, _W)], pv, sem_a)
    cb = pltpu.async_copy(tgt_hbm.at[:, pl.ds(start, _W)], tgt_v, sem_b)

    lane = lax.broadcasted_iota(jnp.int32, (_L,), 0)
    limit = _N - own

    def nll16(off):
        po = jnp.minimum(delta + off, _W - _L)
        l0 = pv[0, pl.ds(po, _L)]
        l1 = pv[1, pl.ds(po, _L)]
        y = tgt_v[0, pl.ds(po, _L)]
        d = l1 - l0
        u = jnp.exp(-jnp.abs(d))
        u2 = u * u
        u4 = u2 * u2
        log1p_u = (
            (_C0 + _C1 * u) + (_C2 + _C3 * u) * u2
            + ((_C4 + _C5 * u) + (_C6 + _C7 * u) * u2) * u4
        )
        z = jnp.where(y == 1, -d, d)
        nll = jnp.maximum(z, 0.0) + log1p_u
        return jnp.where(off + lane < limit, nll, 0.0)

    ca.wait()
    cb.wait()

    def body(i, acc):
        a0, a1, a2, a3 = acc
        off = i * (4 * _L)
        return (a0 + nll16(off), a1 + nll16(off + _L),
                a2 + nll16(off + 2 * _L), a3 + nll16(off + 3 * _L))

    zero = jnp.zeros((_L,), jnp.float32)
    a0, a1, a2, a3 = lax.fori_loop(0, _STEPS // 4, body,
                                   (zero, zero, zero, zero))

    acc_v[...] = (a0 + a1) + (a2 + a3)
    pltpu.sync_copy(acc_v, out_hbm.at[wid])


def _tc_mean(p_ref, o_ref):
    o_ref[...] = jnp.sum(p_ref[...] * (1.0 / _N), axis=(0, 1), keepdims=True)


def kernel(pred, target):
    pt = pred[0].T
    tgt = target.astype(jnp.int32)

    sc = pl.kernel(
        _sc_partials,
        mesh=plsc.VectorSubcoreMesh(core_axis_name="c", subcore_axis_name="s"),
        compiler_params=pltpu.CompilerParams(needs_layout_passes=False),
        out_type=jax.ShapeDtypeStruct((_NW, _L), jnp.float32),
        scratch_types=[
            pltpu.VMEM((2, _W), jnp.float32),
            pltpu.VMEM((1, _W), jnp.int32),
            pltpu.VMEM((_L,), jnp.float32),
            pltpu.SemaphoreType.DMA,
            pltpu.SemaphoreType.DMA,
        ],
    )
    partials = sc(pt, tgt)

    out = pl.pallas_call(
        _tc_mean,
        out_shape=jax.ShapeDtypeStruct((1, 1), jnp.float32),
    )(partials)
    return out[0, 0]

# --- scband reference (transcript-rebuilt; emitter-appended) ---
"""Pipeline reference for scband-rpn-cl-s-loss-61083024884004 (READ-ONLY COPY).

The authoritative reference and input builder live on the scoring server;
editing this copy changes nothing except your own understanding.
"""

import jax, jax.numpy as jnp
import numpy as np

N = 100000
C = 2

def setup_inputs(seed: int = 0) -> dict:
    key = jax.random.key(seed)
    k1, k2 = jax.random.split(key)
    pred = jax.random.normal(k1, (1, N, C), dtype=jnp.float32)
    target = jax.random.randint(k2, (1, N), 0, 2, dtype=jnp.int64)
    return {"pred": pred, "target": target}

def reference(pred, target):
    t0 = target[0]
    # (target[0] != -1).nonzero()[:, 0]
    target_idx = jnp.nonzero(t0 != -1, size=t0.shape[0], fill_value=0)[0]
    logits = pred[0][target_idx]              # gather valid anchor logits [M, C]
    labels = t0[target_idx].astype(jnp.int64) # [M]
    # nn.CrossEntropyLoss: mean of -log_softmax(logits)[labels]
    logp = jax.nn.log_softmax(logits, axis=-1)
    nll = -jnp.take_along_axis(logp, labels[:, None], axis=1)[:, 0]
    loss = jnp.mean(nll)
    return loss

if __name__ == "__main__":
    import jax
    _d = setup_inputs()
    print(jax.jit(kernel)(*tuple(_d.values())))

</pallas_src>

<mosaic_0001>
#map = affine_map<(d0, d1) -> (0, 0)>
module attributes {stable_mosaic.version = 14 : i64} {
  func.func @_sc_partials(%arg0: i32, %arg1: i32, %arg2: memref<2x100000xf32, #tpu.memory_space<hbm>>, %arg3: memref<1x100000xi32, #tpu.memory_space<hbm>>, %arg4: memref<32x16xf32, #tpu.memory_space<hbm>>, %arg5: memref<2x3328xf32, #tpu.memory_space<vmem>>, %arg6: memref<1x3328xi32, #tpu.memory_space<vmem>>, %arg7: memref<16xf32, #tpu.memory_space<vmem>>, %arg8: memref<!tpu.dma_semaphore, #tpu.memory_space<semaphore_mem>>, %arg9: memref<!tpu.dma_semaphore, #tpu.memory_space<semaphore_mem>>) attributes {dimension_semantics = [#tpu.dimension_semantics<core_parallel>, #tpu.dimension_semantics<subcore_parallel>], iteration_bounds = array<i64: 2, 16>, scalar_prefetch = 0 : i64, scratch_operands = 5 : i64, tpu.core_type = #tpu.core_type<sc_vector_subcore>, window_params = [{transform_indices = #map}, {transform_indices = #map}, {transform_indices = #map}]} {
    %mul3A = arith.constant 2 : i32
    %mul3A_0 = arith.muli %arg1, %mul3A : i32
    %add3A = arith.addi %mul3A_0, %arg0 : i32
    %mul3A_1 = arith.constant 3136 : i32
    %mul3A_2 = arith.muli %add3A, %mul3A_1 : i32
    %rem3A = arith.constant 128 : i32
    %rem3A_3 = arith.remsi %mul3A_2, %rem3A : i32
    %sub3A = arith.subi %mul3A_2, %rem3A_3 : i32
    %min3A = arith.constant 96768 : i32
    %min3A_4 = arith.minsi %sub3A, %min3A : i32
    %multiple_of3A = tpu.assume_multiple %min3A_4, 128 : i32
    %sub3A_5 = arith.subi %mul3A_2, %multiple_of3A : i32
    %dma_start3A = arith.constant 0 : i32
    %dma_start3A_6 = tpu.memref_slice %arg2[%dma_start3A, %multiple_of3A] : memref<2x100000xf32, #tpu.memory_space<hbm>> -> memref<2x3328xf32, #tpu.memory_space<hbm>>
    %dma_start3A_7 = arith.constant 0 : i32
    %dma_start3A_8 = tpu.memref_slice %arg2[%dma_start3A_7, %multiple_of3A] : memref<2x100000xf32, #tpu.memory_space<hbm>> -> memref<2x3328xf32, #tpu.memory_space<hbm>>
    tpu.enqueue_dma source(%dma_start3A_8 : memref<2x3328xf32, #tpu.memory_space<hbm>>) target(%arg5 : memref<2x3328xf32, #tpu.memory_space<vmem>>) target_semaphore(%arg8 : memref<!tpu.dma_semaphore, #tpu.memory_space<semaphore_mem>>)
    %dma_start3A_9 = arith.constant 0 : i32
    %dma_start3A_10 = tpu.memref_slice %arg3[%dma_start3A_9, %multiple_of3A] : memref<1x100000xi32, #tpu.memory_space<hbm>> -> memref<1x3328xi32, #tpu.memory_space<hbm>>
    %dma_start3A_11 = arith.constant 0 : i32
    %dma_start3A_12 = tpu.memref_slice %arg3[%dma_start3A_11, %multiple_of3A] : memref<1x100000xi32, #tpu.memory_space<hbm>> -> memref<1x3328xi32, #tpu.memory_space<hbm>>
    tpu.enqueue_dma source(%dma_start3A_12 : memref<1x3328xi32, #tpu.memory_space<hbm>>) target(%arg6 : memref<1x3328xi32, #tpu.memory_space<vmem>>) target_semaphore(%arg9 : memref<!tpu.dma_semaphore, #tpu.memory_space<semaphore_mem>>)
    %iota3A = tpu.iota {dimensions = array<i32: 0>} : vector<16xi32>
    %sub3A_13 = arith.constant 100000 : i32
    %sub3A_14 = arith.subi %sub3A_13, %mul3A_2 : i32
    %dma_wait3A = arith.constant 0 : i32
    %dma_wait3A_15 = tpu.memref_slice %arg2[%dma_wait3A, %multiple_of3A] : memref<2x100000xf32, #tpu.memory_space<hbm>> -> memref<2x3328xf32, #tpu.memory_space<hbm>>
    %dma_wait3A_16 = arith.constant 0 : i32
    %dma_wait3A_17 = tpu.memref_slice %arg2[%dma_wait3A_16, %multiple_of3A] : memref<2x100000xf32, #tpu.memory_space<hbm>> -> memref<2x3328xf32, #tpu.memory_space<hbm>>
    tpu.wait_dma2 semaphore(%arg8 : memref<!tpu.dma_semaphore, #tpu.memory_space<semaphore_mem>>) src(%dma_wait3A_17 : memref<2x3328xf32, #tpu.memory_space<hbm>>) dst(%arg5 : memref<2x3328xf32, #tpu.memory_space<vmem>>)
    %dma_wait3A_18 = arith.constant 0 : i32
    %dma_wait3A_19 = tpu.memref_slice %arg3[%dma_wait3A_18, %multiple_of3A] : memref<1x100000xi32, #tpu.memory_space<hbm>> -> memref<1x3328xi32, #tpu.memory_space<hbm>>
    %dma_wait3A_20 = arith.constant 0 : i32
    %dma_wait3A_21 = tpu.memref_slice %arg3[%dma_wait3A_20, %multiple_of3A] : memref<1x100000xi32, #tpu.memory_space<hbm>> -> memref<1x3328xi32, #tpu.memory_space<hbm>>
    tpu.wait_dma2 semaphore(%arg9 : memref<!tpu.dma_semaphore, #tpu.memory_space<semaphore_mem>>) src(%dma_wait3A_21 : memref<1x3328xi32, #tpu.memory_space<hbm>>) dst(%arg6 : memref<1x3328xi32, #tpu.memory_space<vmem>>)
    %broadcast_in_dim3A = arith.constant 0.000000e+00 : f32
    %broadcast_in_dim3A_22 = vector.broadcast %broadcast_in_dim3A : f32 to vector<16xf32>
    %scan3A = arith.constant 0 : i32
    %scan3A_23 = arith.constant 49 : i32
    %scan3A_24 = arith.addi %scan3A, %scan3A_23 : i32
    %scan3A_25 = arith.constant 1 : i32
    %scan3A_26:4 = scf.for %scan3A_32 = %scan3A to %scan3A_24 step %scan3A_25 iter_args(%scan3A_33 = %broadcast_in_dim3A_22, %scan3A_34 = %broadcast_in_dim3A_22, %scan3A_35 = %broadcast_in_dim3A_22, %scan3A_36 = %broadcast_in_dim3A_22) -> (vector<16xf32>, vector<16xf32>, vector<16xf32>, vector<16xf32>)  : i32 {
      %mul3A_37 = arith.constant 64 : i32
      %mul3A_38 = arith.muli %scan3A_32, %mul3A_37 : i32
      %add3A_39 = arith.addi %sub3A_5, %mul3A_38 : i32
      %min3A_40 = arith.constant 3312 : i32
      %min3A_41 = arith.minsi %add3A_39, %min3A_40 : i32
      %get3A = arith.constant 0 : i32
      %get3A_42 = arith.index_cast %get3A : i32 to index
      %get3A_43 = arith.index_cast %min3A_41 : i32 to index
      %get3A_44 = tpu.vector_load %arg5[%get3A_42, %get3A_43] {strides = array<i32>} : memref<2x3328xf32, #tpu.memory_space<vmem>>, vector<16xf32>,
      %get3A_45 = arith.constant 1 : i32
      %get3A_46 = arith.index_cast %get3A_45 : i32 to index
      %get3A_47 = arith.index_cast %min3A_41 : i32 to index
      %get3A_48 = tpu.vector_load %arg5[%get3A_46, %get3A_47] {strides = array<i32>} : memref<2x3328xf32, #tpu.memory_space<vmem>>, vector<16xf32>,
      %get3A_49 = arith.constant 0 : i32
      %get3A_50 = arith.index_cast %get3A_49 : i32 to index
      %get3A_51 = arith.index_cast %min3A_41 : i32 to index
      %get3A_52 = tpu.vector_load %arg6[%get3A_50, %get3A_51] {strides = array<i32>} : memref<1x3328xi32, #tpu.memory_space<vmem>>, vector<16xi32>,
      %sub3A_53 = arith.subf %get3A_48, %get3A_44 : vector<16xf32>
      %abs3A = math.absf %sub3A_53 : vector<16xf32>
      %neg3A = arith.constant 0.000000e+00 : f32
      %neg3A_54 = vector.broadcast %neg3A : f32 to vector<16xf32>
      %neg3A_55 = arith.subf %neg3A_54, %abs3A : vector<16xf32>
      %exp3A = math.exp %neg3A_55 : vector<16xf32>
      %mul3A_56 = arith.mulf %exp3A, %exp3A : vector<16xf32>
      %mul3A_57 = arith.mulf %mul3A_56, %mul3A_56 : vector<16xf32>
      %mul3A_58 = arith.constant 0.999957442 : f32
      %mul3A_59 = vector.broadcast %mul3A_58 : f32 to vector<16xf32>
      %mul3A_60 = arith.mulf %mul3A_59, %exp3A : vector<16xf32>
      %add3A_61 = arith.constant 5.62932996E-7 : f32
      %add3A_62 = vector.broadcast %add3A_61 : f32 to vector<16xf32>
      %add3A_63 = arith.addf %add3A_62, %mul3A_60 : vector<16xf32>
      %mul3A_64 = arith.constant 0.326972365 : f32
      %mul3A_65 = vector.broadcast %mul3A_64 : f32 to vector<16xf32>
      %mul3A_66 = arith.mulf %mul3A_65, %exp3A : vector<16xf32>
      %add3A_67 = arith.constant -0.499206394 : f32
      %add3A_68 = vector.broadcast %add3A_67 : f32 to vector<16xf32>
      %add3A_69 = arith.addf %add3A_68, %mul3A_66 : vector<16xf32>
      %mul3A_70 = arith.mulf %add3A_69, %mul3A_56 : vector<16xf32>
      %add3A_71 = arith.addf %add3A_63, %mul3A_70 : vector<16xf32>
      %mul3A_72 = arith.constant 0.130763352 : f32
      %mul3A_73 = vector.broadcast %mul3A_72 : f32 to vector<16xf32>
      %mul3A_74 = arith.mulf %mul3A_73, %exp3A : vector<16xf32>
      %add3A_75 = arith.constant -0.222834721 : f32
      %add3A_76 = vector.broadcast %add3A_75 : f32 to vector<16xf32>
      %add3A_77 = arith.addf %add3A_76, %mul3A_74 : vector<16xf32>
      %mul3A_78 = arith.constant 0.0101189017 : f32
      %mul3A_79 = vector.broadcast %mul3A_78 : f32 to vector<16xf32>
      %mul3A_80 = arith.mulf %mul3A_79, %exp3A : vector<16xf32>
      %add3A_81 = arith.constant -0.0526239537 : f32
      %add3A_82 = vector.broadcast %add3A_81 : f32 to vector<16xf32>
      %add3A_83 = arith.addf %add3A_82, %mul3A_80 : vector<16xf32>
      %mul3A_84 = arith.mulf %add3A_83, %mul3A_56 : vector<16xf32>
      %add3A_85 = arith.addf %add3A_77, %mul3A_84 : vector<16xf32>
      %mul3A_86 = arith.mulf %add3A_85, %mul3A_57 : vector<16xf32>
      %add3A_87 = arith.addf %add3A_71, %mul3A_86 : vector<16xf32>
      %eq3A = arith.constant 1 : i32
      %eq3A_88 = vector.broadcast %eq3A : i32 to vector<16xi32>
      %eq3A_89 = arith.cmpi eq, %get3A_52, %eq3A_88 : vector<16xi32>
      %neg3A_90 = arith.constant 0.000000e+00 : f32
      %neg3A_91 = vector.broadcast %neg3A_90 : f32 to vector<16xf32>
      %neg3A_92 = arith.subf %neg3A_91, %sub3A_53 : vector<16xf32>
      %select_n3A = arith.select %eq3A_89, %neg3A_92, %sub3A_53 : vector<16xi1>, vector<16xf32>
      %max3A = arith.constant 0.000000e+00 : f32
      %max3A_93 = vector.broadcast %max3A : f32 to vector<16xf32>
      %max3A_94 = arith.maximumf %select_n3A, %max3A_93 : vector<16xf32>
      %add3A_95 = arith.addf %max3A_94, %add3A_87 : vector<16xf32>
      %add3A_96 = vector.broadcast %mul3A_38 : i32 to vector<16xi32>
      %add3A_97 = arith.addi %add3A_96, %iota3A : vector<16xi32>
      %lt3A = vector.broadcast %sub3A_14 : i32 to vector<16xi32>
      %lt3A_98 = arith.cmpi slt, %add3A_97, %lt3A : vector<16xi32>
      %jit3A = arith.constant 0.000000e+00 : f32
      %broadcast_in_dim3A_99 = vector.broadcast %jit3A : f32 to vector<16xf32>
      %select_n3A_100 = arith.select %lt3A_98, %add3A_95, %broadcast_in_dim3A_99 : vector<16xi1>, vector<16xf32>
      %add3A_101 = arith.addf %scan3A_33, %select_n3A_100 : vector<16xf32>
      %add3A_102 = arith.constant 16 : i32
      %add3A_103 = arith.addi %mul3A_38, %add3A_102 : i32
      %add3A_104 = arith.addi %sub3A_5, %add3A_103 : i32
      %min3A_105 = arith.constant 3312 : i32
      %min3A_106 = arith.minsi %add3A_104, %min3A_105 : i32
      %get3A_107 = arith.constant 0 : i32
      %get3A_108 = arith.index_cast %get3A_107 : i32 to index
      %get3A_109 = arith.index_cast %min3A_106 : i32 to index
      %get3A_110 = tpu.vector_load %arg5[%get3A_108, %get3A_109] {strides = array<i32>} : memref<2x3328xf32, #tpu.memory_space<vmem>>, vector<16xf32>,
      %get3A_111 = arith.constant 1 : i32
      %get3A_112 = arith.index_cast %get3A_111 : i32 to index
      %get3A_113 = arith.index_cast %min3A_106 : i32 to index
      %get3A_114 = tpu.vector_load %arg5[%get3A_112, %get3A_113] {strides = array<i32>} : memref<2x3328xf32, #tpu.memory_space<vmem>>, vector<16xf32>,
      %get3A_115 = arith.constant 0 : i32
      %get3A_116 = arith.index_cast %get3A_115 : i32 to index
      %get3A_117 = arith.index_cast %min3A_106 : i32 to index
      %get3A_118 = tpu.vector_load %arg6[%get3A_116, %get3A_117] {strides = array<i32>} : memref<1x3328xi32, #tpu.memory_space<vmem>>, vector<16xi32>,
      %sub3A_119 = arith.subf %get3A_114, %get3A_110 : vector<16xf32>
      %abs3A_120 = math.absf %sub3A_119 : vector<16xf32>
      %neg3A_121 = arith.constant 0.000000e+00 : f32
      %neg3A_122 = vector.broadcast %neg3A_121 : f32 to vector<16xf32>
      %neg3A_123 = arith.subf %neg3A_122, %abs3A_120 : vector<16xf32>
      %exp3A_124 = math.exp %neg3A_123 : vector<16xf32>
      %mul3A_125 = arith.mulf %exp3A_124, %exp3A_124 : vector<16xf32>
      %mul3A_126 = arith.mulf %mul3A_125, %mul3A_125 : vector<16xf32>
      %mul3A_127 = arith.constant 0.999957442 : f32
      %mul3A_128 = vector.broadcast %mul3A_127 : f32 to vector<16xf32>
      %mul3A_129 = arith.mulf %mul3A_128, %exp3A_124 : vector<16xf32>
      %add3A_130 = arith.constant 5.62932996E-7 : f32
      %add3A_131 = vector.broadcast %add3A_130 : f32 to vector<16xf32>
      %add3A_132 = arith.addf %add3A_131, %mul3A_129 : vector<16xf32>
      %mul3A_133 = arith.constant 0.326972365 : f32
      %mul3A_134 = vector.broadcast %mul3A_133 : f32 to vector<16xf32>
      %mul3A_135 = arith.mulf %mul3A_134, %exp3A_124 : vector<16xf32>
      %add3A_136 = arith.constant -0.499206394 : f32
      %add3A_137 = vector.broadcast %add3A_136 : f32 to vector<16xf32>
      %add3A_138 = arith.addf %add3A_137, %mul3A_135 : vector<16xf32>
      %mul3A_139 = arith.mulf %add3A_138, %mul3A_125 : vector<16xf32>
      %add3A_140 = arith.addf %add3A_132, %mul3A_139 : vector<16xf32>
      %mul3A_141 = arith.constant 0.130763352 : f32
      %mul3A_142 = vector.broadcast %mul3A_141 : f32 to vector<16xf32>
      %mul3A_143 = arith.mulf %mul3A_142, %exp3A_124 : vector<16xf32>
      %add3A_144 = arith.constant -0.222834721 : f32
      %add3A_145 = vector.broadcast %add3A_144 : f32 to vector<16xf32>
      %add3A_146 = arith.addf %add3A_145, %mul3A_143 : vector<16xf32>
      %mul3A_147 = arith.constant 0.0101189017 : f32
      %mul3A_148 = vector.broadcast %mul3A_147 : f32 to vector<16xf32>
      %mul3A_149 = arith.mulf %mul3A_148, %exp3A_124 : vector<16xf32>
      %add3A_150 = arith.constant -0.0526239537 : f32
      %add3A_151 = vector.broadcast %add3A_150 : f32 to vector<16xf32>
      %add3A_152 = arith.addf %add3A_151, %mul3A_149 : vector<16xf32>
      %mul3A_153 = arith.mulf %add3A_152, %mul3A_125 : vector<16xf32>
      %add3A_154 = arith.addf %add3A_146, %mul3A_153 : vector<16xf32>
      %mul3A_155 = arith.mulf %add3A_154, %mul3A_126 : vector<16xf32>
      %add3A_156 = arith.addf %add3A_140, %mul3A_155 : vector<16xf32>
      %eq3A_157 = arith.constant 1 : i32
      %eq3A_158 = vector.broadcast %eq3A_157 : i32 to vector<16xi32>
      %eq3A_159 = arith.cmpi eq, %get3A_118, %eq3A_158 : vector<16xi32>
      %neg3A_160 = arith.constant 0.000000e+00 : f32
      %neg3A_161 = vector.broadcast %neg3A_160 : f32 to vector<16xf32>
      %neg3A_162 = arith.subf %neg3A_161, %sub3A_119 : vector<16xf32>
      %select_n3A_163 = arith.select %eq3A_159, %neg3A_162, %sub3A_119 : vector<16xi1>, vector<16xf32>
      %max3A_164 = arith.constant 0.000000e+00 : f32
      %max3A_165 = vector.broadcast %max3A_164 : f32 to vector<16xf32>
      %max3A_166 = arith.maximumf %select_n3A_163, %max3A_165 : vector<16xf32>
      %add3A_167 = arith.addf %max3A_166, %add3A_156 : vector<16xf32>
      %add3A_168 = vector.broadcast %add3A_103 : i32 to vector<16xi32>
      %add3A_169 = arith.addi %add3A_168, %iota3A : vector<16xi32>
      %lt3A_170 = vector.broadcast %sub3A_14 : i32 to vector<16xi32>
      %lt3A_171 = arith.cmpi slt, %add3A_169, %lt3A_170 : vector<16xi32>
      %jit3A_172 = arith.constant 0.000000e+00 : f32
      %broadcast_in_dim3A_173 = vector.broadcast %jit3A_172 : f32 to vector<16xf32>
      %select_n3A_174 = arith.select %lt3A_171, %add3A_167, %broadcast_in_dim3A_173 : vector<16xi1>, vector<16xf32>
      %add3A_175 = arith.addf %scan3A_34, %select_n3A_174 : vector<16xf32>
      %add3A_176 = arith.constant 32 : i32
      %add3A_177 = arith.addi %mul3A_38, %add3A_176 : i32
      %add3A_178 = arith.addi %sub3A_5, %add3A_177 : i32
      %min3A_179 = arith.constant 3312 : i32
      %min3A_180 = arith.minsi %add3A_178, %min3A_179 : i32
      %get3A_181 = arith.constant 0 : i32
      %get3A_182 = arith.index_cast %get3A_181 : i32 to index
      %get3A_183 = arith.index_cast %min3A_180 : i32 to index
      %get3A_184 = tpu.vector_load %arg5[%get3A_182, %get3A_183] {strides = array<i32>} : memref<2x3328xf32, #tpu.memory_space<vmem>>, vector<16xf32>,
      %get3A_185 = arith.constant 1 : i32
      %get3A_186 = arith.index_cast %get3A_185 : i32 to index
      %get3A_187 = arith.index_cast %min3A_180 : i32 to index
      %get3A_188 = tpu.vector_load %arg5[%get3A_186, %get3A_187] {strides = array<i32>} : memref<2x3328xf32, #tpu.memory_space<vmem>>, vector<16xf32>,
      %get3A_189 = arith.constant 0 : i32
      %get3A_190 = arith.index_cast %get3A_189 : i32 to index
      %get3A_191 = arith.index_cast %min3A_180 : i32 to index
      %get3A_192 = tpu.vector_load %arg6[%get3A_190, %get3A_191] {strides = array<i32>} : memref<1x3328xi32, #tpu.memory_space<vmem>>, vector<16xi32>,
      %sub3A_193 = arith.subf %get3A_188, %get3A_184 : vector<16xf32>
      %abs3A_194 = math.absf %sub3A_193 : vector<16xf32>
      %neg3A_195 = arith.constant 0.000000e+00 : f32
      %neg3A_196 = vector.broadcast %neg3A_195 : f32 to vector<16xf32>
      %neg3A_197 = arith.subf %neg3A_196, %abs3A_194 : vector<16xf32>
      %exp3A_198 = math.exp %neg3A_197 : vector<16xf32>
      %mul3A_199 = arith.mulf %exp3A_198, %exp3A_198 : vector<16xf32>
      %mul3A_200 = arith.mulf %mul3A_199, %mul3A_199 : vector<16xf32>
      %mul3A_201 = arith.constant 0.999957442 : f32
      %mul3A_202 = vector.broadcast %mul3A_201 : f32 to vector<16xf32>
      %mul3A_203 = arith.mulf %mul3A_202, %exp3A_198 : vector<16xf32>
      %add3A_204 = arith.constant 5.62932996E-7 : f32
      %add3A_205 = vector.broadcast %add3A_204 : f32 to vector<16xf32>
      %add3A_206 = arith.addf %add3A_205, %mul3A_203 : vector<16xf32>
      %mul3A_207 = arith.constant 0.326972365 : f32
      %mul3A_208 = vector.broadcast %mul3A_207 : f32 to vector<16xf32>
      %mul3A_209 = arith.mulf %mul3A_208, %exp3A_198 : vector<16xf32>
      %add3A_210 = arith.constant -0.499206394 : f32
      %add3A_211 = vector.broadcast %add3A_210 : f32 to vector<16xf32>
      %add3A_212 = arith.addf %add3A_211, %mul3A_209 : vector<16xf32>
      %mul3A_213 = arith.mulf %add3A_212, %mul3A_199 : vector<16xf32>
      %add3A_214 = arith.addf %add3A_206, %mul3A_213 : vector<16xf32>
      %mul3A_215 = arith.constant 0.130763352 : f32
      %mul3A_216 = vector.broadcast %mul3A_215 : f32 to vector<16xf32>
      %mul3A_217 = arith.mulf %mul3A_216, %exp3A_198 : vector<16xf32>
      %add3A_218 = arith.constant -0.222834721 : f32
      %add3A_219 = vector.broadcast %add3A_218 : f32 to vector<16xf32>
      %add3A_220 = arith.addf %add3A_219, %mul3A_217 : vector<16xf32>
      %mul3A_221 = arith.constant 0.0101189017 : f32
      %mul3A_222 = vector.broadcast %mul3A_221 : f32 to vector<16xf32>
      %mul3A_223 = arith.mulf %mul3A_222, %exp3A_198 : vector<16xf32>
      %add3A_224 = arith.constant -0.0526239537 : f32
      %add3A_225 = vector.broadcast %add3A_224 : f32 to vector<16xf32>
      %add3A_226 = arith.addf %add3A_225, %mul3A_223 : vector<16xf32>
      %mul3A_227 = arith.mulf %add3A_226, %mul3A_199 : vector<16xf32>
      %add3A_228 = arith.addf %add3A_220, %mul3A_227 : vector<16xf32>
      %mul3A_229 = arith.mulf %add3A_228, %mul3A_200 : vector<16xf32>
      %add3A_230 = arith.addf %add3A_214, %mul3A_229 : vector<16xf32>
      %eq3A_231 = arith.constant 1 : i32
      %eq3A_232 = vector.broadcast %eq3A_231 : i32 to vector<16xi32>
      %eq3A_233 = arith.cmpi eq, %get3A_192, %eq3A_232 : vector<16xi32>
      %neg3A_234 = arith.constant 0.000000e+00 : f32
      %neg3A_235 = vector.broadcast %neg3A_234 : f32 to vector<16xf32>
      %neg3A_236 = arith.subf %neg3A_235, %sub3A_193 : vector<16xf32>
      %select_n3A_237 = arith.select %eq3A_233, %neg3A_236, %sub3A_193 : vector<16xi1>, vector<16xf32>
      %max3A_238 = arith.constant 0.000000e+00 : f32
      %max3A_239 = vector.broadcast %max3A_238 : f32 to vector<16xf32>
      %max3A_240 = arith.maximumf %select_n3A_237, %max3A_239 : vector<16xf32>
      %add3A_241 = arith.addf %max3A_240, %add3A_230 : vector<16xf32>
      %add3A_242 = vector.broadcast %add3A_177 : i32 to vector<16xi32>
      %add3A_243 = arith.addi %add3A_242, %iota3A : vector<16xi32>
      %lt3A_244 = vector.broadcast %sub3A_14 : i32 to vector<16xi32>
      %lt3A_245 = arith.cmpi slt, %add3A_243, %lt3A_244 : vector<16xi32>
      %jit3A_246 = arith.constant 0.000000e+00 : f32
      %broadcast_in_dim3A_247 = vector.broadcast %jit3A_246 : f32 to vector<16xf32>
      %select_n3A_248 = arith.select %lt3A_245, %add3A_241, %broadcast_in_dim3A_247 : vector<16xi1>, vector<16xf32>
      %add3A_249 = arith.addf %scan3A_35, %select_n3A_248 : vector<16xf32>
      %add3A_250 = arith.constant 48 : i32
      %add3A_251 = arith.addi %mul3A_38, %add3A_250 : i32
      %add3A_252 = arith.addi %sub3A_5, %add3A_251 : i32
      %min3A_253 = arith.constant 3312 : i32
      %min3A_254 = arith.minsi %add3A_252, %min3A_253 : i32
      %get3A_255 = arith.constant 0 : i32
      %get3A_256 = arith.index_cast %get3A_255 : i32 to index
      %get3A_257 = arith.index_cast %min3A_254 : i32 to index
      %get3A_258 = tpu.vector_load %arg5[%get3A_256, %get3A_257] {strides = array<i32>} : memref<2x3328xf32, #tpu.memory_space<vmem>>, vector<16xf32>,
      %get3A_259 = arith.constant 1 : i32
      %get3A_260 = arith.index_cast %get3A_259 : i32 to index
      %get3A_261 = arith.index_cast %min3A_254 : i32 to index
      %get3A_262 = tpu.vector_load %arg5[%get3A_260, %get3A_261] {strides = array<i32>} : memref<2x3328xf32, #tpu.memory_space<vmem>>, vector<16xf32>,
      %get3A_263 = arith.constant 0 : i32
      %get3A_264 = arith.index_cast %get3A_263 : i32 to index
      %get3A_265 = arith.index_cast %min3A_254 : i32 to index
      %get3A_266 = tpu.vector_load %arg6[%get3A_264, %get3A_265] {strides = array<i32>} : memref<1x3328xi32, #tpu.memory_space<vmem>>, vector<16xi32>,
      %sub3A_267 = arith.subf %get3A_262, %get3A_258 : vector<16xf32>
      %abs3A_268 = math.absf %sub3A_267 : vector<16xf32>
      %neg3A_269 = arith.constant 0.000000e+00 : f32
      %neg3A_270 = vector.broadcast %neg3A_269 : f32 to vector<16xf32>
      %neg3A_271 = arith.subf %neg3A_270, %abs3A_268 : vector<16xf32>
      %exp3A_272 = math.exp %neg3A_271 : vector<16xf32>
      %mul3A_273 = arith.mulf %exp3A_272, %exp3A_272 : vector<16xf32>
      %mul3A_274 = arith.mulf %mul3A_273, %mul3A_273 : vector<16xf32>
      %mul3A_275 = arith.constant 0.999957442 : f32
      %mul3A_276 = vector.broadcast %mul3A_275 : f32 to vector<16xf32>
      %mul3A_277 = arith.mulf %mul3A_276, %exp3A_272 : vector<16xf32>
      %add3A_278 = arith.constant 5.62932996E-7 : f32
      %add3A_279 = vector.broadcast %add3A_278 : f32 to vector<16xf32>
      %add3A_280 = arith.addf %add3A_279, %mul3A_277 : vector<16xf32>
      %mul3A_281 = arith.constant 0.326972365 : f32
      %mul3A_282 = vector.broadcast %mul3A_281 : f32 to vector<16xf32>
      %mul3A_283 = arith.mulf %mul3A_282, %exp3A_272 : vector<16xf32>
      %add3A_284 = arith.constant -0.499206394 : f32
      %add3A_285 = vector.broadcast %add3A_284 : f32 to vector<16xf32>
      %add3A_286 = arith.addf %add3A_285, %mul3A_283 : vector<16xf32>
      %mul3A_287 = arith.mulf %add3A_286, %mul3A_273 : vector<16xf32>
      %add3A_288 = arith.addf %add3A_280, %mul3A_287 : vector<16xf32>
      %mul3A_289 = arith.constant 0.130763352 : f32
      %mul3A_290 = vector.broadcast %mul3A_289 : f32 to vector<16xf32>
      %mul3A_291 = arith.mulf %mul3A_290, %exp3A_272 : vector<16xf32>
      %add3A_292 = arith.constant -0.222834721 : f32
      %add3A_293 = vector.broadcast %add3A_292 : f32 to vector<16xf32>
      %add3A_294 = arith.addf %add3A_293, %mul3A_291 : vector<16xf32>
      %mul3A_295 = arith.constant 0.0101189017 : f32
      %mul3A_296 = vector.broadcast %mul3A_295 : f32 to vector<16xf32>
      %mul3A_297 = arith.mulf %mul3A_296, %exp3A_272 : vector<16xf32>
      %add3A_298 = arith.constant -0.0526239537 : f32
      %add3A_299 = vector.broadcast %add3A_298 : f32 to vector<16xf32>
      %add3A_300 = arith.addf %add3A_299, %mul3A_297 : vector<16xf32>
      %mul3A_301 = arith.mulf %add3A_300, %mul3A_273 : vector<16xf32>
      %add3A_302 = arith.addf %add3A_294, %mul3A_301 : vector<16xf32>
      %mul3A_303 = arith.mulf %add3A_302, %mul3A_274 : vector<16xf32>
      %add3A_304 = arith.addf %add3A_288, %mul3A_303 : vector<16xf32>
      %eq3A_305 = arith.constant 1 : i32
      %eq3A_306 = vector.broadcast %eq3A_305 : i32 to vector<16xi32>
      %eq3A_307 = arith.cmpi eq, %get3A_266, %eq3A_306 : vector<16xi32>
      %neg3A_308 = arith.constant 0.000000e+00 : f32
      %neg3A_309 = vector.broadcast %neg3A_308 : f32 to vector<16xf32>
      %neg3A_310 = arith.subf %neg3A_309, %sub3A_267 : vector<16xf32>
      %select_n3A_311 = arith.select %eq3A_307, %neg3A_310, %sub3A_267 : vector<16xi1>, vector<16xf32>
      %max3A_312 = arith.constant 0.000000e+00 : f32
      %max3A_313 = vector.broadcast %max3A_312 : f32 to vector<16xf32>
      %max3A_314 = arith.maximumf %select_n3A_311, %max3A_313 : vector<16xf32>
      %add3A_315 = arith.addf %max3A_314, %add3A_304 : vector<16xf32>
      %add3A_316 = vector.broadcast %add3A_251 : i32 to vector<16xi32>
      %add3A_317 = arith.addi %add3A_316, %iota3A : vector<16xi32>
      %lt3A_318 = vector.broadcast %sub3A_14 : i32 to vector<16xi32>
      %lt3A_319 = arith.cmpi slt, %add3A_317, %lt3A_318 : vector<16xi32>
      %jit3A_320 = arith.constant 0.000000e+00 : f32
      %broadcast_in_dim3A_321 = vector.broadcast %jit3A_320 : f32 to vector<16xf32>
      %select_n3A_322 = arith.select %lt3A_319, %add3A_315, %broadcast_in_dim3A_321 : vector<16xi1>, vector<16xf32>
      %add3A_323 = arith.addf %scan3A_36, %select_n3A_322 : vector<16xf32>
      scf.yield %add3A_101, %add3A_175, %add3A_249, %add3A_323 : vector<16xf32>, vector<16xf32>, vector<16xf32>, vector<16xf32>
    }
    %scan3A_27 = arith.constant 49 : i32
    %add3A_28 = arith.addf %scan3A_26#0, %scan3A_26#1 : vector<16xf32>
    %add3A_29 = arith.addf %scan3A_26#2, %scan3A_26#3 : vector<16xf32>
    %add3A_30 = arith.addf %add3A_28, %add3A_29 : vector<16xf32>
    %swap3A = arith.constant 0 : index
    %swap3A_31 = tpu.vector_load %arg7[%swap3A] {strides = array<i32>} : memref<16xf32, #tpu.memory_space<vmem>>, vector<16xf32>,
    tpu.vector_store %arg7[%swap3A], %add3A_30 {strides = array<i32>} : memref<16xf32, #tpu.memory_space<vmem>>, vector<16xf32>,
    "tpu.region"() ({
      %run_scoped3A = tpu.sem_alloc : memref<!tpu.dma_semaphore, #tpu.memory_space<semaphore_mem>>
      %dma_start3A_32 = arith.constant 0 : i32
      %dma_start3A_33 = tpu.memref_slice %arg4[%add3A, %dma_start3A_32] : memref<32x16xf32, #tpu.memory_space<hbm>> -> memref<1x16xf32, #tpu.memory_space<hbm>>
      %dma_start3A_34 = tpu.memref_squeeze %dma_start3A_33 : memref<1x16xf32, #tpu.memory_space<hbm>> -> memref<16xf32, #tpu.memory_space<hbm>>
      %dma_start3A_35 = arith.constant 0 : i32
      %dma_start3A_36 = tpu.memref_slice %arg4[%add3A, %dma_start3A_35] : memref<32x16xf32, #tpu.memory_space<hbm>> -> memref<1x16xf32, #tpu.memory_space<hbm>>
      %dma_start3A_37 = tpu.memref_squeeze %dma_start3A_36 : memref<1x16xf32, #tpu.memory_space<hbm>> -> memref<16xf32, #tpu.memory_space<hbm>>
      tpu.enqueue_dma source(%arg7 : memref<16xf32, #tpu.memory_space<vmem>>) target(%dma_start3A_37 : memref<16xf32, #tpu.memory_space<hbm>>) target_semaphore(%run_scoped3A : memref<!tpu.dma_semaphore, #tpu.memory_space<semaphore_mem>>)
      %dma_wait3A_38 = arith.constant 0 : i32
      %dma_wait3A_39 = tpu.memref_slice %arg4[%add3A, %dma_wait3A_38] : memref<32x16xf32, #tpu.memory_space<hbm>> -> memref<1x16xf32, #tpu.memory_space<hbm>>
      %dma_wait3A_40 = tpu.memref_squeeze %dma_wait3A_39 : memref<1x16xf32, #tpu.memory_space<hbm>> -> memref<16xf32, #tpu.memory_space<hbm>>
      %dma_wait3A_41 = arith.constant 0 : i32
      %dma_wait3A_42 = tpu.memref_slice %arg4[%add3A, %dma_wait3A_41] : memref<32x16xf32, #tpu.memory_space<hbm>> -> memref<1x16xf32, #tpu.memory_space<hbm>>
      %dma_wait3A_43 = tpu.memref_squeeze %dma_wait3A_42 : memref<1x16xf32, #tpu.memory_space<hbm>> -> memref<16xf32, #tpu.memory_space<hbm>>
      tpu.wait_dma2 semaphore(%run_scoped3A : memref<!tpu.dma_semaphore, #tpu.memory_space<semaphore_mem>>) src(%arg7 : memref<16xf32, #tpu.memory_space<vmem>>) dst(%dma_wait3A_43 : memref<16xf32, #tpu.memory_space<hbm>>)
      tpu.yield
    }) : () -> ()
    return
  }
}

module attributes {stable_mosaic.version = 14 : i64} {
  func.func @_tc_mean(%arg0: memref<32x16xf32, #tpu.memory_space<vmem>>, %arg1: memref<1x1xf32, #tpu.memory_space<vmem>>) attributes {dimension_semantics = [], scalar_prefetch = 0 : i64, scratch_operands = 0 : i64, tpu.core_type = #tpu.core_type<tc>} {
    %get3A = arith.constant 0 : index
    %get3A_0 = arith.constant 0 : index
    %get3A_1 = vector.load %arg0[%get3A, %get3A_0] : memref<32x16xf32, #tpu.memory_space<vmem>>, vector<32x16xf32>
    %mul3A = arith.constant 9.99999974E-6 : f32
    %mul3A_2 = vector.broadcast %mul3A : f32 to vector<32x16xf32>
    %mul3A_3 = arith.mulf %get3A_1, %mul3A_2 : vector<32x16xf32>
    %reduce_sum3A = vector.shape_cast %mul3A_3 : vector<32x16xf32> to vector<1x32x16xf32>
    %reduce_sum3A_4 = arith.constant dense<0.000000e+00> : vector<1xf32>
    %reduce_sum3A_5 = vector.multi_reduction <add>, %reduce_sum3A, %reduce_sum3A_4 [1, 2] : vector<1x32x16xf32> to vector<1xf32>
    %reduce_sum3A_6 = vector.shape_cast %reduce_sum3A_5 : vector<1xf32> to vector<1x1x1xf32>
    %reduce_sum3A_7 = vector.extract %reduce_sum3A_6[0, 0, 0] : f32 from vector<1x1x1xf32>
    %broadcast_in_dim3A = vector.broadcast %reduce_sum3A_7 : f32 to vector<1x1xf32>
    %swap3A = arith.constant 0 : index
    %swap3A_8 = arith.constant 0 : index
    %swap3A_9 = vector.load %arg1[%swap3A, %swap3A_8] : memref<1x1xf32, #tpu.memory_space<vmem>>, vector<1x1xf32>
    tpu.vector_store %arg1[%swap3A, %swap3A_8], %broadcast_in_dim3A {strides = array<i32>} : memref<1x1xf32, #tpu.memory_space<vmem>>, vector<1x1xf32>,
    return
  }
}

</mosaic_0001>

<sc_bundles>
// kernel: kernel.4.cloned.1.call-start
scs
__scs_entry_jumppad:
0x0: {  	(pc) =	sbr.rel $0x88, $3  }
0x1: {  	(tag) =	ssettag $0x0;
	lr =	simm.s32 $0x1  }
0x2: {  	[smem:$0x3F9F] =	sst lr;
	_ =	strace $0xD0000000  }
0x3: {  	_ = 	snop  }
0x4: {  	_ = 	snop  }
0x5: {  	_ = 	snop  }
0x6: {  	_ = 	snop  }
0x7: {  	_ = 	snop  }
__scs_overlays_trampoline_lowered:
0x8: {  	[smem:$0x3FAE] =	sst s0  }
0x9: {  	[smem:$0x3FAF] =	sst s1  }
0xa: {  	[smem:$0x3FB0] =	sst s2  }
0xb: {  	[smem:$0x3FB1] =	sst s3  }
0xc: {  	[smem:$0x3FB2] =	sst s4  }
0xd: {  	[smem:$0x3FB3] =	sst s5  }
0xe: {  	[smem:$0x3FB4] =	sst s6  }
0xf: {  	[smem:$0x3FB5] =	sst s7  }
0x10: {  	[smem:$0x3FB6] =	sst s8  }
0x11: {  	[smem:$0x3FB7] =	sst s9;
	s0 =	simm.s32 @!p0 $0x0  }
0x12: {  	s1 =	sld [smem:$0x3F9D];
	s0 =	simm.s32 @p0 $0x1  }
0x13: {  	[smem:$0x3FB8] =	sst s0;
	s0 =	simm.s32 @!p1 $0x0  }
0x14: {  	s2 =	sld [smem:$0x3F9C];
	s0 =	simm.s32 @p1 $0x1  }
0x15: {  	[smem:$0x3FB9] =	sst s0;
	s0 =	simm.s32 @!p2 $0x0  }
0x16: {  	s3 =	sld [smem:$0x3FDB];
	s0 =	simm.s32 @p2 $0x1  }
0x17: {  	s4 =	simm.s32 $0x1BF5;
	[smem:$0x3FBB] =	sst s0  }
0x18: {  	s0 =	sld [smem:$0x3F9E];
	_ =	swait.ge [sflag:s4], $0x0  }
0x19: {  	s7 =	sld [smem:$0x3F9F]  }
0x1a: {  	s8 =	sadd.s32 $0xFFFFE003, lr  }
0x1b: {  	s9 =	sadd.s32 $0xFFFFFEF7, lr;
	s5 =	simm.s32 $0xFFFFFFFF;
	p2 =	slt.u32 s8, $0xFFFFF086  }
0x1c: {  	p1 =	slt.u32 s9, $0xF7A;
	s5 =	simm.s32 @!p2 $0x0  }
0x1d: {  	s5 =	simm.s32 @p1 $0x1;
	p0 =	seq.s32 s7, s2  }
0x1e: {  	s7 =	smul.u32 @!p0 $0xF7A, s2;
	p2 =	seq.s32 @!p0 s5, $0x0  }
0x1f: {  	s9 =	smul.u32 $0xF7A, s1;
	s8 =	simm.s32 @!p0 $0x1BF5;
	p2 =	por !p2, p0  }
0x20: {  	[sflag:s8] =	ssyncset.s32 @!p0 $0xFFFFF086;
	s6 =	sadd.s32 @!p0 s3, s7;
	s7 =	simm.s32 @!p0 $0x108  }
0x21: {  	s3 =	sadd.s32 s3, s9;
	s6 =	sadd.s32 @!p0 $0x88, s6;
	s7 =	simm.s32 @p2 $0x1082  }
0x22: {  	[simem:s7], [sflag:s8] =	dma.local @!p0 [hbm:s6], $0xF7A  }
0x23: {  	s9 =	sor.u32 $0xD0000000, s2;
	s6 =	simm.s32 $0x108;
	_ =	swait.ge @!p0 [sflag:s8], $0x0  }
0x24: {  	s3 =	sadd.s32 $0x88, s3;
	s6 =	simm.s32 @!p1 $0x1082;
	[sflag:s4] =	ssyncset.s32 $0xFFFFF086  }
0x25: {  	[simem:s6], [sflag:s4] =	dma.local [hbm:s3], $0xF7A  }
0x26: {  	[smem:$0x3F9F] =	sst s1;
	(tag) =	ssettag s2;
	_ =	strace s9  }
0x27: {  	s1 =	sld [smem:$0x3FAF]  }
0x28: {  	s2 =	sld [smem:$0x3FB0]  }
0x29: {  	s4 =	sld [smem:$0x3FB2]  }
0x2a: {  	p0 =	seq.s32 s5, $0x0;
	s5 =	sld [smem:$0x3FB3]  }
0x2b: {  	s6 =	sld [smem:$0x3FB4]  }
0x2c: {  	s7 =	sld [smem:$0x3FB5]  }
0x2d: {  	s3 =	simm.s32 $0x108;
	s8 =	sld [smem:$0x3FB6]  }
0x2e: {  	s3 =	simm.s32 @!p0 $0x1082;
	s9 =	sld [smem:$0x3FB7]  }
0x2f: {  	lr =	sadd.s32 s0, s3;
	s0 =	sld [smem:$0x3FAE]  }
0x30: {  	s3 =	sld [smem:$0x3FB1]  }
0x31: {  	[smem:$0x3FBA] =	sst s10  }
0x32: {  	s10 =	sld [smem:$0x3FB8];
	_ =	sdelay $0x3  }
0x33: {  	p0 =	seq.s32 s10, $0x1;
	s10 =	sld [smem:$0x3FBA];
	_ =	sdelay $0x3  }
0x34: {  	[smem:$0x3FBA] =	sst s10  }
0x35: {  	s10 =	sld [smem:$0x3FB9];
	_ =	sdelay $0x3  }
0x36: {  	p1 =	seq.s32 s10, $0x1;
	s10 =	sld [smem:$0x3FBA];
	_ =	sdelay $0x3  }
0x37: {  	[smem:$0x3FBA] =	sst s10  }
0x38: {  	s10 =	sld [smem:$0x3FBB]  }
0x39: {  	_ = 	snop;
	(pc) =	sbr.ind lr, $3  }
0x3a: {  	_ = 	snop  }
0x3b: {  	_ = 	snop  }
0x3c: {  	p2 =	seq.s32 s10, $0x1;
	s10 =	sld [smem:$0x3FBA]  }
0x3d: {  	_ =	shalt  }
0x3e: {  	_ =	shalt  }
0x3f: {  	_ =	shalt  }
0x40: {  	_ =	shalt  }
0x41: {  	_ =	shalt  }
0x42: {  	_ =	shalt  }
0x43: {  	_ =	shalt  }
0x44: {  	_ =	shalt  }
0x45: {  	_ =	shalt  }
0x46: {  	_ =	shalt  }
0x47: {  	_ =	shalt  }
0x48: {  	_ =	shalt  }
0x49: {  	_ =	shalt  }
0x4a: {  	_ =	shalt  }
0x4b: {  	_ =	shalt  }
0x4c: {  	_ =	shalt  }
0x4d: {  	_ =	shalt  }
0x4e: {  	_ =	shalt  }
0x4f: {  	_ =	shalt  }
0x50: {  	_ =	shalt  }
0x51: {  	_ =	shalt  }
0x52: {  	_ =	shalt  }
0x53: {  	_ =	shalt  }
0x54: {  	_ =	shalt  }
0x55: {  	_ =	shalt  }
0x56: {  	_ =	shalt  }
0x57: {  	_ =	shalt  }
0x58: {  	_ =	shalt  }
0x59: {  	_ =	shalt  }
0x5a: {  	_ =	shalt  }
0x5b: {  	_ =	shalt  }
0x5c: {  	_ =	shalt  }
0x5d: {  	_ =	shalt  }
0x5e: {  	_ =	shalt  }
0x5f: {  	_ =	shalt  }
0x60: {  	_ =	shalt  }
0x61: {  	_ =	shalt  }
0x62: {  	_ =	shalt  }
0x63: {  	_ =	shalt  }
0x64: {  	_ =	shalt  }
0x65: {  	_ =	shalt  }
0x66: {  	_ =	shalt  }
0x67: {  	_ =	shalt  }
0x68: {  	_ =	shalt  }
0x69: {  	_ =	shalt  }
0x6a: {  	_ =	shalt  }
0x6b: {  	_ =	shalt  }
0x6c: {  	_ =	shalt  }
0x6d: {  	_ =	shalt  }
0x6e: {  	_ =	shalt  }
0x6f: {  	_ =	shalt  }
0x70: {  	_ =	shalt  }
0x71: {  	_ =	shalt  }
0x72: {  	_ =	shalt  }
0x73: {  	_ =	shalt  }
0x74: {  	_ =	shalt  }
0x75: {  	_ =	shalt  }
0x76: {  	_ =	shalt  }
0x77: {  	_ =	shalt  }
0x78: {  	_ =	shalt  }
0x79: {  	_ =	shalt  }
0x7a: {  	_ =	shalt  }
0x7b: {  	_ =	shalt  }
0x7c: {  	_ =	shalt  }
0x7d: {  	_ =	shalt  }
0x7e: {  	_ =	shalt  }
0x7f: {  	_ =	shalt  }
0x80: {  	_ =	shalt  }
0x81: {  	_ =	shalt  }
0x82: {  	_ =	shalt  }
0x83: {  	_ =	shalt  }
0x84: {  	_ =	shalt  }
0x85: {  	_ =	shalt  }
0x86: {  	_ =	shalt  }
0x87: {  	_ =	shalt  }
.Lfunc_end0:
.L_simem_size_0:
called_computation_lowered:
.L_overlay_start_0:
0x88: {  	s2 =	sld [smem:$0x3FD9]  }
0x89: {  	s3 =	sld [smem:$0x3FFE];
	_ =	sdelay $0x1  }
0x8a: {  	s1 =	srdreg.scid  }
0x8b: {  	s0 =	sand.u32 $0x1, s1  }
0x8c: {  	s17 =	sshll.u32 s0, $0xA;
	s2 =	sadd.s32 s3, s2  }
0x8d: {  	s2 =	sadd.s32 s2, s17  }
0x8e: {  	[smem:$0x3FC6] =	sst s2  }
0x8f: {  	_ = 	snop  }
0x90: {  	s2 =	sld [smem:$0x3FC9]  }
0x91: {  	s18 =	sld [smem:$0x3FC8];
	(tm) =	ssettm $0x1  }
0x92: {  	s4 =	sld [smem:$0x3FFB];
	_ =	sdelay $0x3  }
0x93: {  	_ =	strace s4  }
0x94: {  	s4 =	sld [smem:$0x3FFC];
	_ =	sdelay $0x3  }
0x95: {  	_ =	strace s4  }
0x96: {  	s4 =	sld [smem:$0x3FFD];
	_ =	sdelay $0x3  }
0x97: {  	_ =	strace s4  }
0x98: {  	_ =	strace $0x8FFFFFFF  }
0x99: {  	s19 =	sld [smem:$0x3FDB];
	_ =	sdelay $0x1  }
0x9a: {  	s5 =	simm.s32 $_scs_section_size  }
0x9b: {  	s6 =	simm.s32 $_size__tile_overlayer_lowered;
	s7 =	simm.s32 $_tile_overlayer_lowered  }
0x9c: {  	s22 =	simm.s32 $0x1BFF;
	s21 =	sshll.u32 s7, $0x1;
	s4 =	sadd.s32 s5, s19  }
0x9d: {  	s8 =	simm.s32 $0x0;
	s20 =	sshll.u32 s6, $0x1;
	s6 =	sadd.s32 s21, s4  }
0x9e: {  	[timem:s8], [sflag:s22] =	dma.local [hbm:s6], s20  }
0x9f: {  	_ =	swait.ge [sflag:s22], s20  }
0xa0: {  	s5 =	ssub.s32 $0x0, s20;
	[sflag:s22] =	ssyncset.done $0x0  }
0xa1: {  	[sflag:s22] =	ssyncadd.s32 s5;
	_ =	sdelay $0x1  }
0xa2: {  	s23 =	simm.s32 $0x1B8B  }
0xa3: {  	_ =	swait.ge [sflag:s23], $0x1  }
0xa4: {  	[sflag:s23] =	ssyncset.done $0x0  }
0xa5: {  	s25 =	simm.s32 $0x1B8E;
	s24 =	sld [smem:$0x3FFE];
	[sflag:s23] =	ssyncadd.s32 $0xFFFFFFFF  }
0xa6: {  	s26 =	simm.s32 $execute0_lowered;
	[smem:$0x3FD2] =	sst s25  }
0xa7: {  	s6 =	sshll.u32 s26, $0x1;
	_ =	strace $0x80000046;
	[dreg:$0x1] =	wrdreg $0xFFFFFFFF  }
0xa8: {  	s28 =	simm.s32 $_size_execute0_lowered;
	s4 =	sadd.s32 s4, s6;
	[dreg:$0x0] =	wrdreg $0x0  }
0xa9: {  	s6 =	sshll.u32 s28, $0x1;
	[dreg:$0x2] =	wrdreg s4  }
0xaa: {  	[dreg:$0x3] =	wrdreg s6  }
0xab: {  	[dreg:$0x4] =	wrdreg $0xC0  }
0xac: {  	_ =	task [dreg:s8], $0x5FFFF  }
0xad: {  	[dreg:$0x1] =	wrdreg $0xFFFFFFFF  }
0xae: {  	[dreg:$0x0] =	wrdreg $0x60  }
0xaf: {  	[dreg:$0x2] =	wrdreg s2  }
0xb0: {  	[dreg:$0x3] =	wrdreg s18  }
0xb1: {  	[dreg:$0x4] =	wrdreg s24  }
0xb2: {  	[dreg:$0x5] =	wrdreg $0x9  }
0xb3: {  	_ =	task.clear_ibuf [dreg:s8], $0x6FFFF;
	_ =	strace $0x90000046  }
0xb4: {  	s29 =	simm.s32 $0x9;
	_ =	strace $0x80000048  }
0xb5: {  	_ =	swait.ge [sflag:s29], $0x1  }
0xb6: {  	[sflag:s29] =	ssyncadd.s32 $0xFFFFFFFF  }
0xb7: {  	_ =	strace $0x90000048  }
0xb8: {  	_ =	sfence  }
0xb9: {  	s30 =	sld [smem:$0x0];
	_ =	sdelay $0x2  }
0xba: {  	s31 =	sshll.u32 s1, $0xD;
	s1 =	sshrl.u32 s1, $0x2  }
0xbb: {  	s3 =	sand.u32 $0x4000, s31;
	s1 =	sadd.s32 s1, s30  }
0xbc: {  	s0 =	sor.u32 s3, s0;
	s1 =	sshll.u32 s1, $0x11  }
0xbd: {  	s0 =	sor.u32 s1, s0  }
0xbe: {  	s0 =	sadd.s32 $0x8F2B, s0  }
0xbf: {  	[sflag:s0] =	ssyncadd.remote.s32 $0x1  }
0xc0: {  	_ =	sfence.sel $0xFFFF  }
0xc1: {  	[dreg:$0x0] =	wrdreg $0xFFFFFFFF;
	(pc) =	sbr.abs _section_cstart, $3  }
0xc2: {  	[dreg:$0x1] =	wrdreg $0xFFFFFFFF  }
0xc3: {  	_ =	task.clear_ibuf [dreg:s8], $0x2FFFF;
	_ =	strace $0x9FFFFFFF  }
0xc4: {  	(tm) =	ssettm $0x7FFFFFFF  }
0xc5: {  	_ =	shalt  }
tec
execute0_lowered:
.L_overlay_start_1:
0x0: {  	(tag) =	ssettag $0x1  }
0x1: {  	s3 =	rddreg [dreg:$0x0]  }
0x2: {  	s4 =	rddreg [dreg:$0x1];
	s1 =	srdreg.scid  }
0x3: {  	s0 =	stileid.u32;
	s5 =	rddreg [dreg:$0x2];
	s2 =	simm.s32 $0x0  }
0x4: {  	s12 =	simm.s32 $0x3;
	s13 =	simm.s32 $0x0;
	s6 =	sand.u32 $0x1, s1  }
0x5: {  	s7 =	sshll.u32 s0, $0x1;
	s1 =	rddreg [dreg:$0x3];
	s9 =	smul.u32 $0x1880, s0  }
0x6: {  	s7 =	sor.u32 s6, s7;
	s10 =	ssub.s32 $0x2, s6;
	s6 =	smul.u32 $0xC40, s6  }
0x7: {  	[smem:$0x7FF] =	sst s2;
	s8 =	smul.u32 $0xC40, s7;
	s7 =	sshll.u32 s7, $0x4  }
0x8: {  	_ =	strace $0x80000047;
	s25 =	sshrl.u32 s10, $0x1;
	s5 =	sadd.s32 s7, s5  }
0x9: {  	s7 =	ssub.s32 s10, s25;
	s9 =	sadd.s32 s6, s9;
	s10 =	simm.s32 $0x2  }
0xa: {  	s11 =	sand.u32 $0x1FF80, s8;
	s29 =	sand.u32 $0x3FF80, s9;
	s30 =	ssub.s32 $0x186A0, s8  }
0xb: {  	v0 =	vlaneseq.u32;
	s5 =	sadd.s32 $0x600, s5;
	s6 =	smax.u32 s7, $0x1;
	s11 =	smin.u32 s11, $0x17A00  }
0xc: {  	v0 =	vmul.u32 $0xFFFFFFFF, v0;
	s8 =	simm.s32 $0x1A00;
	s31 =	smin.u32 s29, $0x17A00;
	s26 =	sshrl.u32 s11, $0x2  }
0xd: {  	s28 =	sshrl.u32 s11, $0x3;
	s7 =	ssub.s32 s9, s31;
	s9 =	simm.s32 $0x1  }
0xe: {  	v0 =	vadd.s32 s30, v0;
	s11 =	simm.s32 $0x2700;
	s3 =	sadd.s32 s3, s26;
	s4 =	sadd.s32 s4, s28  }
.LBB2_1:
0xf: {  	[tilespmem:s2], [sflag:$0x1] =	stream.linear.gather [hbm4b:s3+s2], $0x1A00, $0x38;
	[tilespmem:$0x2780] =	vst v63  }
0x10: {  	s15 =	sadd.s32 $0x0, s7  }
0x11: {  	[tilespmem:s8], [sflag:$0x2] =	stream.linear.gather [hbm4b:s4+s2], $0xD00, $0x38;
	[tilespmem:$0x2780] =	vst v63  }
0x12: {  	s14 =	sadd.s32 $0x30, s15;
	_ =	swait.ge [sflag:s9], $0x1A00  }
0x13: {  	p0 =	slt.s32 s14, $0xCF0;
	[sflag:s9] =	ssyncset.done $0x0  }
0x14: {  	s18 =	sadd.s32 $0x10, s15;
	s14 =	simm.s32 @!p0 $0xCF0;
	[sflag:s9] =	ssyncadd.s32 $0xFFFFE600  }
0x15: {  	p0 =	slt.s32 s18, $0xCF0;
	s16 =	sshll.u32 s14, $0x1;
	_ =	swait.ge [sflag:s10], $0xD00  }
0x16: {  	s17 =	sand.u32 $0x70, s14;
	s16 =	sand.u32 $0xFFFFFF00, s16;
	[sflag:s10] =	ssyncset.done $0x0  }
0x17: {  	s16 =	sor.u32 s17, s16;
	s17 =	sadd.s32 $0x20, s15;
	[sflag:s10] =	ssyncadd.s32 $0xFFFFF300  }
0x18: {  	s18 =	simm.s32 @!p0 $0xCF0;
	p0 =	slt.s32 s17, $0xCF0;
	v1 =	vld [tilespmem:s16+$0x0]  }
0x19: {  	s24 =	sshll.u32 s18, $0x1;
	s17 =	simm.s32 @!p0 $0xCF0;
	p0 =	slt.s32 s15, $0xCF0;
	v2 =	vld [tilespmem:s16+$0x80]  }
0x1a: {  	s19 =	sand.u32 $0x70, s18;
	s16 =	sand.u32 $0xFFFFFF00, s24;
	s15 =	simm.s32 @!p0 $0xCF0  }
0x1b: {  	s16 =	sor.u32 s19, s16;
	s21 =	sshll.u32 s15, $0x1  }
0x1c: {  	s20 =	sshll.u32 s17, $0x1;
	s29 =	sand.u32 $0x70, s15;
	v3 =	vld [tilespmem:s16+$0x0];
	s28 =	sand.u32 $0xFFFFFF00, s21  }
0x1d: {  	s26 =	sand.u32 $0x70, s17;
	s25 =	sand.u32 $0xFFFFFF00, s20;
	v4 =	vld [tilespmem:s16+$0x80];
	s16 =	sor.u32 s29, s28  }
0x1e: {  	s19 =	sor.u32 s26, s25;
	v7 =	vld [tilespmem:s16+$0x0];
	v5 =	vsub.f32 v2, v1  }
0x1f: {  	v1 =	vld [tilespmem:s19+$0x0]  }
0x20: {  	v2 =	vld [tilespmem:s19+$0x80];
	v6 =	vand.u32 $0x7FFFFFFF, v5  }
0x21: {  	v8 =	vld [tilespmem:s16+$0x80];
	v6 =	vsub.f32 $0.0e+00, v6;
	_ =	sdelay $0x1  }
0x22: {  	v3 =	vsub.f32 v4, v3;
	v4 =	vmul.f32 $1.442695020e+00, v6;
	_ =	sdelay $0x1  }
0x23: {  	v17 =	vld [tilespmem:s14+$0x1A00];
	v6 =	vand.u32 $0x7FFFFFFF, v3;
	v1 =	vsub.f32 v2, v1;
	(erf) = vpow2.f32 v4  }
0x24: {  	v7 =	vsub.f32 v8, v7;
	v2 =	vld [tilespmem:s18+$0x1A00];
	v4 =	vsub.f32 $0.0e+00, v6  }
0x25: {  	v8 =	vand.u32 $0x7FFFFFFF, v1  }
0x26: {  	v10 =	vand.u32 $0x7FFFFFFF, v7;
	v6 =	vld [tilespmem:s17+$0x1A00];
	v8 =	vsub.f32 $0.0e+00, v8;
	v4 =	vmul.f32 $1.442695020e+00, v4  }
0x27: {  	v9 =	vld [tilespmem:s15+$0x1A00];
	v11 =	vsub.f32 $0.0e+00, v10  }
0x28: {  	v8 =	vmul.f32 $1.442695020e+00, v8;
	(erf) = vpow2.f32 v4  }
0x29: {  	vm15 =	veq.s32 v17, $0x1;
	v11 =	vmul.f32 $1.442695020e+00, v11;
	vm0 =	veq.s32 v2, $0x1  }
0x2a: {  	v2 =	vsub.f32 $0.0e+00, v3;
	v4 =	vsub.f32 $0.0e+00, v1;
	(erf) = vpow2.f32 v8  }
0x2b: {  	vm2 =	veq.s32 v6, $0x1;
	v6 =	vsub.f32 $0.0e+00, v7;
	(erf) = vpow2.f32 v11  }
0x2c: {  	vm1 =	veq.s32 v9, $0x1;
	v10 =	vimm.f32 $0.0e+00;
	v2 =	vsel vm0, v2, v3;
	v9 =	vpop (erf)  }
0x2d: {  	s30 =	simm.s32 $0x10;
	v1 =	vsel vm2, v4, v1;
	v4 =	vsel vm1, v6, v7;
	v6 =	vmul.f32 $1.011890170e-02, v9  }
0x2e: {  	v8 =	vmov s30;
	v2 =	vmax.f32 v2, $0.0e+00;
	v7 =	vmul.f32 v9, v9  }
0x2f: {  	v11 =	vmul.f32 $3.269723650e-01, v9;
	v12 =	vmul.f32 $1.307633520e-01, v9;
	v6 =	vadd.f32 $-5.262395370e-02, v6  }
0x30: {  	v3 =	vmax.f32 v1, $0.0e+00;
	v1 =	vmax.f32 v4, $0.0e+00;
	v14 =	vmul.f32 $9.999574420e-01, v9  }
0x31: {  	v11 =	vadd.f32 $-4.992063940e-01, v11;
	v15 =	vadd.f32 $-2.228347210e-01, v12;
	v13 =	vpop (erf);
	v6 =	vmul.f32 v6, v7  }
0x32: {  	v4 =	vmov s2;
	v18 =	vmul.f32 v7, v7;
	v16 =	vmul.f32 $1.011890170e-02, v13  }
0x33: {  	s31 =	simm.s32 $0x20;
	v19 =	vadd.f32 $5.629329960e-07, v14;
	v12 =	vpop (erf);
	v7 =	vmul.f32 v11, v7;
	v6 =	vadd.f32 v6, v15  }
0x34: {  	v9 =	vmov s31;
	v14 =	vpop (erf);
	v16 =	vadd.f32 $-5.262395370e-02, v16;
	v15 =	vmul.f32 $1.011890170e-02, v12  }
0x35: {  	v7 =	vadd.f32 v7, v19;
	v19 =	vmul.f32 $1.011890170e-02, v14;
	v6 =	vmul.f32 v6, v18  }
0x36: {  	v11 =	vmul.f32 v13, v13;
	v18 =	vsub.f32 $0.0e+00, v5;
	v15 =	vadd.f32 $-5.262395370e-02, v15  }
0x37: {  	v17 =	vmul.f32 $3.269723650e-01, v13;
	v19 =	vadd.f32 $-5.262395370e-02, v19;
	v20 =	vadd.f32 v6, v7  }
0x38: {  	s14 =	simm.s32 $0x40;
	s17 =	sadd.s32 $0x40, s7;
	v5 =	vsel vm15, v18, v5;
	v18 =	vmul.f32 $1.307633520e-01, v13;
	v6 =	vimm.f32 $0.0e+00  }
0x39: {  	s16 =	simm.s32 $0x80;
	s18 =	simm.s32 $0x30;
	s15 =	sadd.s32 $0x30, s17;
	v7 =	vimm.f32 $0.0e+00;
	v21 =	vmax.f32 v5, $0.0e+00;
	v5 =	vimm.f32 $0.0e+00  }
.LBB2_2:
0x3a: {  	v22 =	vmul.f32 v12, v12;
	v20 =	vadd.f32 v20, v21  }
0x3b: {  	p0 =	sne.s32 s16, $0xC00;
	s19 =	sadd.s32 $0x10, s17;
	p1 =	slt.s32 s15, $0xCF0;
	v21 =	vmov s18;
	v23 =	vmul.f32 $3.269723650e-01, v12;
	v24 =	vmul.f32 $1.307633520e-01, v12  }
0x3c: {  	s18 =	sadd.s32 $0x20, s17;
	v25 =	vmul.f32 $3.269723650e-01, v14;
	v26 =	vmul.f32 $1.307633520e-01, v14;
	p2 =	slt.s32 s19, $0xCF0;
	s15 =	simm.s32 @!p1 $0xCF0;
	vm0 =	vlt.u32 v21, v0  }
0x3d: {  	p3 =	slt.s32 s17, $0xCF0;
	v16 =	vmul.f32 v16, v11;
	p1 =	slt.s32 s18, $0xCF0;
	v21 =	vmul.f32 v14, v14;
	s20 =	sshll.u32 s15, $0x1;
	v20 =	vnsel vm0, $0x0, v20  }
0x3e: {  	v13 =	vmul.f32 $9.999574420e-01, v13;
	v12 =	vmul.f32 $9.999574420e-01, v12;
	s19 =	simm.s32 @!p2 $0xCF0;
	s21 =	sand.u32 $0x70, s15;
	s20 =	sand.u32 $0xFFFFFF00, s20;
	v10 =	vadd.f32 v20, v10  }
0x3f: {  	v17 =	vadd.f32 $-4.992063940e-01, v17;
	s17 =	simm.s32 @!p3 $0xCF0;
	s18 =	simm.s32 @!p1 $0xCF0;
	v15 =	vmul.f32 v15, v22;
	v19 =	vmul.f32 v19, v21;
	v20 =	vld [tilespmem:s19+$0x1A00];
	s20 =	sor.u32 s21, s20  }
0x40: {  	v18 =	vadd.f32 $-2.228347210e-01, v18;
	v14 =	vmul.f32 $9.999574420e-01, v14;
	v23 =	vadd.f32 $-4.992063940e-01, v23;
	s22 =	sshll.u32 s19, $0x1;
	s23 =	sshll.u32 s18, $0x1;
	s21 =	sshll.u32 s17, $0x1;
	v27 =	vld [tilespmem:s20+$0x0]  }
0x41: {  	v26 =	vadd.f32 $-2.228347210e-01, v26;
	v17 =	vmul.f32 v17, v11;
	v24 =	vadd.f32 $-2.228347210e-01, v24;
	s22 =	sand.u32 $0xFFFFFF00, s22;
	s23 =	sand.u32 $0xFFFFFF00, s23;
	s21 =	sand.u32 $0xFFFFFF00, s21;
	v28 =	vld [tilespmem:s20+$0x80]  }
0x42: {  	v25 =	vadd.f32 $-4.992063940e-01, v25;
	s24 =	sand.u32 $0x70, s18;
	s19 =	sand.u32 $0x70, s19;
	s20 =	sand.u32 $0x70, s17;
	v29 =	vld [tilespmem:s18+$0x1A00]  }
0x43: {  	v16 =	vadd.f32 v16, v18;
	v18 =	vmul.f32 v23, v22;
	v15 =	vadd.f32 v15, v24;
	s20 =	sor.u32 s20, s21;
	v30 =	vld [tilespmem:s17+$0x1A00];
	s17 =	sor.u32 s19, s22;
	s19 =	sor.u32 s24, s23  }
0x44: {  	v11 =	vmul.f32 v11, v11;
	v24 =	vmul.f32 v25, v21;
	v19 =	vadd.f32 v19, v26;
	s18 =	smov.u32 s14;
	s14 =	smov.u32 s16;
	v23 =	vld [tilespmem:s17+$0x0]  }
0x45: {  	v13 =	vadd.f32 $5.629329960e-07, v13;
	v12 =	vadd.f32 $5.629329960e-07, v12;
	v22 =	vmul.f32 v22, v22;
	v25 =	vld [tilespmem:s17+$0x80]  }
0x46: {  	v14 =	vadd.f32 $5.629329960e-07, v14;
	v21 =	vmul.f32 v21, v21;
	v26 =	vld [tilespmem:s19+$0x0];
	v27 =	vsub.f32 v28, v27  }
0x47: {  	v13 =	vadd.f32 v17, v13;
	v11 =	vmul.f32 v16, v11;
	v15 =	vmul.f32 v15, v22;
	v28 =	vld [tilespmem:s19+$0x80]  }
0x48: {  	v12 =	vadd.f32 v18, v12;
	v19 =	vmul.f32 v19, v21;
	v16 =	vld [tilespmem:s20+$0x0];
	v17 =	vand.u32 $0x7FFFFFFF, v27  }
0x49: {  	v14 =	vadd.f32 v24, v14;
	vm0 =	veq.s32 v20, $0x1;
	v18 =	vld [tilespmem:s20+$0x80];
	v17 =	vsub.f32 $0.0e+00, v17  }
0x4a: {  	vm2 =	veq.s32 v29, $0x1;
	vm1 =	veq.s32 v30, $0x1;
	v20 =	vsub.f32 v25, v23  }
0x4b: {  	v11 =	vadd.f32 v11, v13;
	v12 =	vadd.f32 v15, v12;
	v17 =	vmul.f32 $1.442695020e+00, v17  }
0x4c: {  	v13 =	vand.u32 $0x7FFFFFFF, v20;
	v15 =	vsub.f32 $0.0e+00, v20;
	v21 =	vsub.f32 v28, v26  }
0x4d: {  	v14 =	vadd.f32 v19, v14;
	v13 =	vsub.f32 $0.0e+00, v13;
	(erf) = vpow2.f32 v17  }
0x4e: {  	v16 =	vsub.f32 v18, v16;
	v17 =	vand.u32 $0x7FFFFFFF, v21;
	v18 =	vsub.f32 $0.0e+00, v21  }
0x4f: {  	v15 =	vsel vm0, v15, v20;
	v13 =	vmul.f32 $1.442695020e+00, v13;
	v17 =	vsub.f32 $0.0e+00, v17  }
0x50: {  	v19 =	vand.u32 $0x7FFFFFFF, v16;
	v20 =	vsub.f32 $0.0e+00, v16;
	v18 =	vsel vm2, v18, v21  }
0x51: {  	v19 =	vsub.f32 $0.0e+00, v19;
	v17 =	vmul.f32 $1.442695020e+00, v17;
	(erf) = vpow2.f32 v13  }
0x52: {  	v15 =	vmax.f32 v15, $0.0e+00;
	v13 =	vsel vm1, v20, v16;
	v16 =	vmax.f32 v18, $0.0e+00  }
0x53: {  	v18 =	vmul.f32 $1.442695020e+00, v19;
	v13 =	vmax.f32 v13, $0.0e+00;
	(erf) = vpow2.f32 v17  }
0x54: {  	v11 =	vadd.f32 v11, v2;
	vm0 =	vlt.u32 v8, v0;
	v8 =	vadd.f32 v12, v3;
	v2 =	vmovc v15  }
0x55: {  	v12 =	vadd.f32 v14, v1;
	vm1 =	vlt.u32 v9, v0;
	v3 =	vmovc v16;
	v1 =	vmovc v13;
	(erf) = vpow2.f32 v18  }
0x56: {  	vm2 =	vlt.u32 v4, v0;
	v4 =	vnsel vm0, $0x0, v11;
	v8 =	vnsel vm1, $0x0, v8;
	v9 =	vpop (erf)  }
0x57: {  	v12 =	vnsel vm2, $0x0, v12;
	v6 =	vadd.f32 v4, v6;
	v11 =	vmul.f32 $1.011890170e-02, v9  }
0x58: {  	v7 =	vadd.f32 v12, v7;
	v5 =	vadd.f32 v8, v5;
	v14 =	vmul.f32 v9, v9  }
0x59: {  	s17 =	sadd.s32 $0x10, s18;
	v21 =	vmul.f32 $3.269723650e-01, v9;
	v15 =	vmul.f32 $1.307633520e-01, v9;
	v11 =	vadd.f32 $-5.262395370e-02, v11  }
0x5a: {  	v4 =	vmov s18;
	v8 =	vmov s17;
	v16 =	vmul.f32 $9.999574420e-01, v9;
	v13 =	vpop (erf)  }
0x5b: {  	s17 =	sadd.s32 $0x20, s18;
	v18 =	vadd.f32 $-4.992063940e-01, v21;
	v15 =	vadd.f32 $-2.228347210e-01, v15;
	v17 =	vld [tilespmem:s15+$0x1A00];
	v11 =	vmul.f32 v11, v14  }
0x5c: {  	v9 =	vmov s17;
	v20 =	vmul.f32 v14, v14;
	v19 =	vmul.f32 $1.011890170e-02, v13;
	v12 =	vpop (erf)  }
0x5d: {  	v21 =	vadd.f32 $5.629329960e-07, v16;
	v18 =	vmul.f32 v18, v14;
	v15 =	vadd.f32 v11, v15  }
.Ltmp0:
0x5e: {  	v11 =	vmul.f32 v13, v13;
	v16 =	vadd.f32 $-5.262395370e-02, v19;
	v19 =	vmul.f32 $1.011890170e-02, v12;
	v14 =	vpop (erf);
	(pc) =	sbr.rel @p0 .LBB2_2-.Ltmp0, $4  }
0x5f: {  	v18 =	vadd.f32 v18, v21;
	v21 =	vsub.f32 $0.0e+00, v27;
	v20 =	vmul.f32 v15, v20  }
0x60: {  	v22 =	vmul.f32 $1.011890170e-02, v14;
	v15 =	vadd.f32 $-5.262395370e-02, v19;
	vm0 =	veq.s32 v17, $0x1  }
0x61: {  	s17 =	sadd.s32 s16, s7;
	v17 =	vmul.f32 $3.269723650e-01, v13;
	v20 =	vadd.f32 v20, v18;
	v21 =	vsel vm0, v21, v27  }
0x62: {  	s18 =	sadd.s32 $0x30, s18;
	s16 =	sadd.s32 $0x40, s16;
	s15 =	sadd.s32 $0x30, s17;
	v19 =	vadd.f32 $-5.262395370e-02, v22;
	v18 =	vmul.f32 $1.307633520e-01, v13;
	v21 =	vmax.f32 v21, $0.0e+00  }
0x63: {  	v22 =	vmul.f32 v12, v12  }
0x64: {  	v23 =	vmul.f32 $3.269723650e-01, v12;
	v24 =	vmul.f32 $1.307633520e-01, v12  }
0x65: {  	p0 =	slt.s32 s15, $0xCF0;
	v20 =	vadd.f32 v20, v21;
	v41 =	vmul.f32 v14, v14;
	v25 =	vmul.f32 $3.269723650e-01, v14  }
0x66: {  	v40 =	vmov s18;
	s18 =	sadd.s32 $0x10, s17;
	v26 =	vmul.f32 $1.307633520e-01, v14;
	v16 =	vmul.f32 v16, v11;
	s15 =	simm.s32 @!p0 $0xCF0  }
0x67: {  	s20 =	sadd.s32 $0x20, s17;
	v17 =	vadd.f32 $-4.992063940e-01, v17;
	v13 =	vmul.f32 $9.999574420e-01, v13;
	v43 =	vmul.f32 $9.999574420e-01, v14;
	p0 =	slt.s32 s18, $0xCF0;
	s16 =	sshll.u32 s15, $0x1  }
0x68: {  	v44 =	vmul.f32 $9.999574420e-01, v12;
	v48 =	vmul.f32 v11, v11;
	vm8 =	vlt.u32 v8, v0;
	s19 =	sand.u32 $0x70, s15;
	s18 =	simm.s32 @!p0 $0xCF0;
	s16 =	sand.u32 $0xFFFFFF00, s16  }
0x69: {  	vm9 =	vlt.u32 v9, v0;
	vm10 =	vlt.u32 v4, v0;
	v38 =	vmov s14;
	p1 =	slt.s32 s20, $0xCF0;
	v28 =	vld [tilespmem:s18+$0x1A00];
	s16 =	sor.u32 s19, s16  }
0x6a: {  	vm0 =	vlt.u32 v40, v0;
	v18 =	vadd.f32 $-2.228347210e-01, v18;
	v23 =	vadd.f32 $-4.992063940e-01, v23;
	s20 =	simm.s32 @!p1 $0xCF0;
	s23 =	sshll.u32 s18, $0x1;
	v42 =	vld [tilespmem:s16+$0x0]  }
0x6b: {  	vm15 =	vlt.u32 v38, v0;
	v26 =	vadd.f32 $-2.228347210e-01, v26;
	v24 =	vadd.f32 $-2.228347210e-01, v24;
	s18 =	sand.u32 $0x70, s18;
	s24 =	sand.u32 $0xFFFFFF00, s23;
	v27 =	vld [tilespmem:s16+$0x80]  }
0x6c: {  	v19 =	vmul.f32 v19, v41;
	v25 =	vadd.f32 $-4.992063940e-01, v25;
	v13 =	vadd.f32 $5.629329960e-07, v13;
	v35 =	vld [tilespmem:s15+$0x1A00];
	s16 =	sor.u32 s18, s24  }
0x6d: {  	v15 =	vmul.f32 v15, v22;
	p0 =	slt.s32 s17, $0xCF0;
	v12 =	vadd.f32 $5.629329960e-07, v44;
	v14 =	vadd.f32 $5.629329960e-07, v43;
	s25 =	sshll.u32 s20, $0x1;
	v46 =	vld [tilespmem:s16+$0x0]  }
0x6e: {  	v20 =	vnsel vm0, $0x0, v20;
	v17 =	vmul.f32 v17, v11;
	v21 =	vmul.f32 v41, v41;
	s17 =	simm.s32 @!p0 $0xCF0;
	s26 =	sand.u32 $0x70, s20;
	s18 =	sand.u32 $0xFFFFFF00, s25;
	v49 =	vld [tilespmem:s16+$0x80]  }
0x6f: {  	v10 =	vadd.f32 v20, v10;
	v16 =	vadd.f32 v16, v18;
	v45 =	vmul.f32 v23, v22;
	s28 =	sshll.u32 s17, $0x1;
	v50 =	vld [tilespmem:s17+$0x1A00];
	s18 =	sor.u32 s26, s18  }
0x70: {  	v15 =	vadd.f32 v15, v24;
	v47 =	vmul.f32 v25, v41;
	s17 =	sand.u32 $0x70, s17;
	s16 =	sand.u32 $0xFFFFFF00, s28;
	v51 =	vld [tilespmem:s18+$0x0];
	v20 =	vsub.f32 v27, v42  }
0x71: {  	v19 =	vadd.f32 v19, v26;
	v22 =	vmul.f32 v22, v22;
	v13 =	vadd.f32 v17, v13;
	s16 =	sor.u32 s17, s16;
	v30 =	vld [tilespmem:s18+$0x80]  }
0x72: {  	v11 =	vmul.f32 v16, v48;
	v12 =	vadd.f32 v45, v12;
	v53 =	vld [tilespmem:s16+$0x0];
	v52 =	vand.u32 $0x7FFFFFFF, v20  }
0x73: {  	v15 =	vmul.f32 v15, v22;
	v54 =	vld [tilespmem:s16+$0x80];
	v55 =	vsub.f32 v49, v46;
	v16 =	vsub.f32 $0.0e+00, v52  }
0x74: {  	v29 =	vld [tilespmem:s20+$0x1A00];
	v19 =	vmul.f32 v19, v21;
	v14 =	vadd.f32 v47, v14;
	v11 =	vadd.f32 v11, v13  }
0x75: {  	vm11 =	veq.s32 v35, $0x1;
	v56 =	vand.u32 $0x7FFFFFFF, v55;
	v16 =	vmul.f32 $1.442695020e+00, v16  }
0x76: {  	vm7 =	veq.s32 v28, $0x1;
	v58 =	vsub.f32 v30, v51;
	v13 =	vsub.f32 $0.0e+00, v56  }
0x77: {  	v12 =	vadd.f32 v15, v12;
	v14 =	vadd.f32 v19, v14;
	(erf) = vpow2.f32 v16  }
0x78: {  	v59 =	vsub.f32 v54, v53;
	v60 =	vand.u32 $0x7FFFFFFF, v58;
	v13 =	vmul.f32 $1.442695020e+00, v13  }
0x79: {  	vm2 =	veq.s32 v29, $0x1;
	v2 =	vadd.f32 v11, v2;
	v17 =	vsub.f32 $0.0e+00, v60  }
0x7a: {  	v3 =	vadd.f32 v12, v3;
	v62 =	vand.u32 $0x7FFFFFFF, v59;
	(erf) = vpow2.f32 v13  }
0x7b: {  	vm1 =	veq.s32 v50, $0x1;
	v19 =	vsub.f32 $0.0e+00, v62;
	v17 =	vmul.f32 $1.442695020e+00, v17  }
0x7c: {  	v1 =	vadd.f32 v14, v1;
	v2 =	vnsel vm8, $0x0, v2;
	v3 =	vnsel vm9, $0x0, v3  }
0x7d: {  	v2 =	vadd.f32 v2, v6;
	v25 =	vmul.f32 $1.442695020e+00, v19;
	(erf) = vpow2.f32 v17  }
0x7e: {  	v1 =	vnsel vm10, $0x0, v1;
	v42 =	vsub.f32 $0.0e+00, v20;
	v57 =	vsub.f32 $0.0e+00, v55  }
0x7f: {  	s29 =	sadd.s32 $0x30, s14;
	v1 =	vadd.f32 v1, v7;
	v3 =	vadd.f32 v3, v5;
	(erf) = vpow2.f32 v25  }
0x80: {  	v52 =	vmov s29;
	v61 =	vsub.f32 $0.0e+00, v58;
	v45 =	vsel vm11, v42, v20;
	v26 =	vpop (erf)  }
0x81: {  	v15 =	vsel vm7, v57, v55;
	v63 =	vsub.f32 $0.0e+00, v59;
	v27 =	vmul.f32 $1.011890170e-02, v26  }
0x82: {  	v18 =	vsel vm2, v61, v58;
	v28 =	vmul.f32 v26, v26;
	v29 =	vmul.f32 $3.269723650e-01, v26  }
0x83: {  	v24 =	vsel vm1, v63, v59;
	v30 =	vmul.f32 $1.307633520e-01, v26;
	v31 =	vmul.f32 $9.999574420e-01, v26;
	v32 =	vpop (erf)  }
0x84: {  	v16 =	vmax.f32 v18, $0.0e+00;
	v36 =	vmul.f32 $1.011890170e-02, v32;
	v39 =	vmul.f32 v32, v32  }
0x85: {  	v13 =	vmax.f32 v24, $0.0e+00;
	v44 =	vmul.f32 $3.269723650e-01, v32;
	v47 =	vmul.f32 $1.307633520e-01, v32  }
0x86: {  	v17 =	vpop (erf);
	v7 =	vmul.f32 $9.999574420e-01, v32;
	v4 =	vadd.f32 $-5.262395370e-02, v27;
	v37 =	vmul.f32 v28, v28  }
0x87: {  	v33 =	vadd.f32 $-4.992063940e-01, v29;
	v40 =	vmul.f32 $1.011890170e-02, v17;
	v48 =	vmul.f32 v17, v17  }
0x88: {  	v34 =	vadd.f32 $-2.228347210e-01, v30;
	v41 =	vpop (erf);
	v49 =	vmul.f32 $3.269723650e-01, v17;
	v50 =	vmul.f32 $1.307633520e-01, v17  }
0x89: {  	v6 =	vadd.f32 $5.629329960e-07, v31;
	v17 =	vmul.f32 $9.999574420e-01, v17;
	v43 =	vmul.f32 $1.011890170e-02, v41  }
0x8a: {  	v12 =	vadd.f32 $-5.262395370e-02, v36;
	v51 =	vmul.f32 v41, v41;
	v53 =	vmul.f32 $3.269723650e-01, v41  }
0x8b: {  	v54 =	vmul.f32 $1.307633520e-01, v41;
	v5 =	vadd.f32 $-4.992063940e-01, v44;
	v4 =	vmul.f32 v4, v28  }
0x8c: {  	v14 =	vadd.f32 $-2.228347210e-01, v47;
	v19 =	vmul.f32 $9.999574420e-01, v41;
	v11 =	vmul.f32 v39, v39  }
0x8d: {  	v7 =	vadd.f32 $5.629329960e-07, v7;
	v8 =	vmul.f32 v33, v28;
	v4 =	vadd.f32 v4, v34  }
0x8e: {  	v18 =	vadd.f32 $-5.262395370e-02, v40;
	v21 =	vadd.f32 $-4.992063940e-01, v49;
	v20 =	vmul.f32 v48, v48  }
0x8f: {  	v17 =	vadd.f32 $5.629329960e-07, v17;
	v6 =	vadd.f32 v8, v6;
	v4 =	vmul.f32 v4, v37  }
0x90: {  	v46 =	vadd.f32 $-5.262395370e-02, v43;
	v12 =	vmul.f32 v12, v39;
	v25 =	vadd.f32 $-2.228347210e-01, v54  }
0x91: {  	v5 =	vmul.f32 v5, v39;
	v24 =	vadd.f32 $-4.992063940e-01, v53;
	v4 =	vadd.f32 v4, v6  }
0x92: {  	v57 =	vmul.f32 v51, v51;
	v18 =	vmul.f32 v18, v48;
	v6 =	vmax.f32 v45, $0.0e+00  }
0x93: {  	v8 =	vmul.f32 v46, v51;
	v4 =	vadd.f32 v4, v6;
	v6 =	vadd.f32 $-2.228347210e-01, v50  }
0x94: {  	v19 =	vadd.f32 $5.629329960e-07, v19;
	v55 =	vmul.f32 v21, v48;
	v12 =	vadd.f32 v12, v14  }
0x95: {  	v56 =	vmul.f32 v24, v51;
	v8 =	vadd.f32 v8, v25;
	v6 =	vadd.f32 v18, v6  }
0x96: {  	v5 =	vadd.f32 v5, v7;
	v59 =	vadd.f32 v55, v17;
	v58 =	vmul.f32 v12, v11  }
0x97: {  	v60 =	vadd.f32 v56, v19;
	v8 =	vmul.f32 v8, v57;
	v6 =	vmul.f32 v6, v20  }
0x98: {  	s30 =	sadd.s32 $0x10, s14;
	vm12 =	vlt.u32 v52, v0;
	v15 =	vmax.f32 v15, $0.0e+00;
	v5 =	vadd.f32 v58, v5  }
0x99: {  	s31 =	sadd.s32 $0x20, s14;
	v61 =	vmov s30;
	v62 =	vadd.f32 v8, v60;
	v6 =	vadd.f32 v6, v59  }
0x9a: {  	v63 =	vmov s31;
	vm13 =	vlt.u32 v61, v0;
	v5 =	vadd.f32 v5, v15  }
0x9b: {  	v4 =	vnsel vm12, $0x0, v4;
	v7 =	vadd.f32 v62, v13;
	v6 =	vadd.f32 v6, v16  }
0x9c: {  	vm14 =	vlt.u32 v63, v0;
	v4 =	vadd.f32 v4, v10;
	v5 =	vnsel vm13, $0x0, v5  }
0x9d: {  	v2 =	vadd.f32 v5, v2;
	v7 =	vnsel vm15, $0x0, v7;
	v6 =	vnsel vm14, $0x0, v6  }
0x9e: {  	v1 =	vadd.f32 v7, v1;
	v3 =	vadd.f32 v6, v3;
	_ =	sdelay $0x1  }
0x9f: {  	v1 =	vadd.f32 v2, v1;
	v2 =	vadd.f32 v4, v3;
	_ =	sdelay $0x1  }
0xa0: {  	s13 =	sadd.s32 $0x1, s13;
	v1 =	vadd.f32 v2, v1  }
0xa1: {  	p0 =	sne.s32 s13, s6  }
.Ltmp1:
0xa2: {  	[tilespmem:$0x2700] =	vst v1;
	(pc) =	sbr.rel @p0 .LBB2_1-.Ltmp1, $4  }
0xa3: {  	[hbm4b:s5+s2] =	stream.linear.scatter [tilespmem:s11], [sflag:$0x3], $0x80, $0x38;
	[tilespmem:$0x2780] =	vst v63  }
0xa4: {  	_ =	swait.ge [sflag:s12], $0x80  }
0xa5: {  	[sflag:s12] =	ssyncset.done $0x0  }
0xa6: {  	[sflag:s12] =	ssyncadd.s32 $0xFFFFFF80  }
0xa7: {  	_ =	sfence.sel $0x180000  }
0xa8: {  	[bflag:$0x0] =	sbarrier.arrive $0xFFFF  }
0xa9: {  	p0 =	sne.s32 s0, $0x0;
	_ =	strace $0x90000047  }
0xaa: {  	s0 =	sadd.s32 @!p0 $0x100000, s1;
	[bflag:$0x2] =	sbarrier.arrive $0xFFFF  }
0xab: {  	[sflag:s0] =	ssyncadd.tile.s32 @!p0 $0x1;
	_ =	shalt  }
.Lfunc_end2:
_tile_overlayer_lowered:
.L_overlay_start_2:
0xac: {  	(tag) =	ssettag $0x2  }
0xad: {  	s0 =	rddreg [dreg:$0x0];
	s2 =	stileid.u32  }
0xae: {  	s1 =	rddreg [dreg:$0x1];
	p0 =	sne.s32 s2, $0x0  }
0xaf: {  	s3 =	rddreg [dreg:$0x2];
	[bflag:$0x3] =	sbarrier.arrive $0xFFFF;
	s2 =	simm.s32 @!p0 $0x1C03  }
0xb0: {  	[timem:s3], [sflag:s2] =	dma.local @!p0 [hbm:s0], s1  }
0xb1: {  	s0 =	simm.s32 @!p0 $0x3  }
0xb2: {  	_ =	swait.ge @!p0 [sflag:s0], s1  }
0xb3: {  	s1 =	ssub.s32 @!p0 $0x0, s1;
	[sflag:s0] =	ssyncset.done @!p0 $0x0  }
0xb4: {  	[sflag:s0] =	ssyncadd.s32 @!p0 s1  }
0xb5: {  	[bflag:$0x3] =	sbarrier.arrive $0xFFFF  }
0xb6: {  	_ =	shalt  }

</sc_bundles>
